<compile_context>
chip_gen: v7x
topology: tpu7x:2x2x1
jax: 0.10.2.dev20260603
libtpu: 0.0.44.dev20260713+nightly
codegen_flags: <defaults>
</compile_context>

<pallas_src>
import functools

import jax
import jax.numpy as jnp
from jax.experimental import pallas as pl

_NT = (((1,), (1,)), ((), ()))
_NN = (((1,), (0,)), ((), ()))


def _level_body(K, r_ref, a2_ref, whi_ref, wmid_ref, wlo_ref, b2_ref,
                codes_ref, q_ref, rn_ref, loss_ref):
    i_blk = pl.program_id(0)

    @pl.when(i_blk == 0)
    def _():
        loss_ref[...] = jnp.zeros((1, 1), jnp.float32)

    f32 = jnp.float32
    r = r_ref[...]
    PB = r.shape[0]
    rb = r.astype(jnp.bfloat16)
    w_i = whi_ref[...]
    ab = jax.lax.dot_general(rb, w_i, _NT, preferred_element_type=f32)
    d2 = a2_ref[...] + b2_ref[...] - 2.0 * ab
    dist = jnp.sqrt(jnp.maximum(d2, 0.0))
    idx = jnp.argmin(dist, axis=1)
    codes_ref[0, 0, :] = idx
    oh = (jax.lax.broadcasted_iota(jnp.int32, (PB, K), 1)
          == idx[:, None]).astype(jnp.bfloat16)
    q = ((jax.lax.dot_general(oh, w_i, _NN, preferred_element_type=f32)
          + jax.lax.dot_general(oh, wmid_ref[...], _NN,
                                preferred_element_type=f32))
         + jax.lax.dot_general(oh, wlo_ref[...], _NN,
                               preferred_element_type=f32))
    q_ref[...] = q
    rn = r - q
    rn_ref[...] = rn
    loss_ref[...] += jnp.reshape(jnp.sum(rn * rn), (1, 1))


def _level_call(K, N, D, PB, r, a2, whi_t, wmid_t, wlo_t, b2):
    return pl.pallas_call(
        functools.partial(_level_body, K),
        grid=(N // PB,),
        in_specs=[
            pl.BlockSpec((PB, D), lambda i: (i, 0)),
            pl.BlockSpec((PB, 1), lambda i: (i, 0)),
            pl.BlockSpec((K, D), lambda i: (0, 0)),
            pl.BlockSpec((K, D), lambda i: (0, 0)),
            pl.BlockSpec((K, D), lambda i: (0, 0)),
            pl.BlockSpec((1, K), lambda i: (0, 0)),
        ],
        out_specs=[
            pl.BlockSpec((1, 1, PB), lambda i: (i, 0, 0)),
            pl.BlockSpec((PB, D), lambda i: (i, 0)),
            pl.BlockSpec((PB, D), lambda i: (i, 0)),
            pl.BlockSpec((1, 1), lambda i: (0, 0)),
        ],
        out_shape=[
            jax.ShapeDtypeStruct((N // PB, 1, PB), jnp.int32),
            jax.ShapeDtypeStruct((N, D), jnp.float32),
            jax.ShapeDtypeStruct((N, D), jnp.float32),
            jax.ShapeDtypeStruct((1, 1), jnp.float32),
        ],
    )(r, a2, whi_t, wmid_t, wlo_t, b2)


def kernel(embeddings, codebooks):
    B, T, D = embeddings.shape
    n_cb, K, _ = codebooks.shape
    N = B * T
    PB = 480

    x = embeddings.reshape(N, D)
    whi = codebooks.astype(jnp.bfloat16)
    e1 = codebooks - whi.astype(jnp.float32)
    wmid = e1.astype(jnp.bfloat16)
    wlo = (e1 - wmid.astype(jnp.float32)).astype(jnp.bfloat16)

    r = x
    qsum = None
    loss = jnp.float32(0.0)
    codes_list = []
    for i in range(n_cb):
        w = codebooks[i]
        b2 = jnp.sum(w * w, axis=1)
        a2 = jnp.sum(r * r, axis=1, keepdims=True)
        codes_i, q, r, partial = _level_call(
            K, N, D, PB, r, a2, whi[i], wmid[i], wlo[i], b2.reshape(1, K))
        codes_list.append(codes_i.reshape(N))
        qsum = q if qsum is None else qsum + q
        loss = loss + partial[0, 0]
    codes = jnp.stack([c.reshape(B, T) for c in codes_list], axis=-1)
    quantized = (x + (qsum - x)).reshape(B, T, D)
    total_loss = loss / jnp.float32(N * D) / jnp.float32(n_cb)
    return codes, quantized, total_loss

# --- scband reference (transcript-rebuilt; emitter-appended) ---
"""Pipeline reference for scband-residual-vector-quantizer-19653770346758 (READ-ONLY COPY).

The authoritative reference and input builder live on the scoring server;
editing this copy changes nothing except your own understanding.
"""

import jax, jax.numpy as jnp
import numpy as np

B, T, D = 32, 750, 512
NUM_CODEBOOKS = 8
CODEBOOK_SIZE = 2048


def setup_inputs(seed: int = 0) -> dict:
    key = jax.random.key(seed)
    k1, k2 = jax.random.split(key)
    embeddings = jax.random.normal(k1, (B, T, D), dtype=jnp.float32)
    # nn.Embedding weights init: uniform(-1/codebook_size, 1/codebook_size)
    codebooks = jax.random.uniform(
        k2, (NUM_CODEBOOKS, CODEBOOK_SIZE, D),
        minval=-1.0 / CODEBOOK_SIZE, maxval=1.0 / CODEBOOK_SIZE,
        dtype=jnp.float32)
    return {"embeddings": embeddings, "codebooks": codebooks}


def _cdist(a, b):
    # Euclidean distance matrix, same as torch.cdist(a, b)
    a2 = jnp.sum(a * a, axis=1, keepdims=True)          # (N, 1)
    b2 = jnp.sum(b * b, axis=1)                         # (K,)
    d2 = a2 + b2[None, :] - 2.0 * (a @ b.T)             # (N, K)
    return jnp.sqrt(jnp.maximum(d2, 0.0))


def reference(embeddings, codebooks):
    Bb, Tt, Dd = embeddings.shape
    n_cb = codebooks.shape[0]
    quantized = jnp.zeros_like(embeddings)
    residual = embeddings
    total_commitment_loss = jnp.float32(0.0)
    all_codes = []
    for i in range(n_cb):
        w = codebooks[i]                                       # (K, D)
        distances = _cdist(residual.reshape(-1, Dd), w)        # (B*T, K)
        indices = jnp.argmin(distances, axis=-1)               # (B*T,)
        all_codes.append(indices.reshape(Bb, Tt))
        quantized_level = jnp.take(w, indices, axis=0).reshape(Bb, Tt, Dd)
        quantized = quantized + quantized_level
        commitment_loss = jnp.mean(
            (jax.lax.stop_gradient(residual) - quantized_level) ** 2)
        total_commitment_loss = total_commitment_loss + commitment_loss
        residual = residual - jax.lax.stop_gradient(quantized_level)
    codes = jnp.stack(all_codes, axis=-1)                      # (B, T, n_cb)
    # straight-through estimator
    quantized = embeddings + jax.lax.stop_gradient(quantized - embeddings)
    return codes, quantized, total_commitment_loss / n_cb

if __name__ == "__main__":
    import jax
    _d = setup_inputs()
    print(jax.jit(kernel)(*tuple(_d.values())))

</pallas_src>

<mosaic_0001>
module attributes {stable_mosaic.version = 14 : i64} {
  func.func @_level_body(%arg0: i32, %arg1: memref<480x512xf32, #tpu.memory_space<vmem>>, %arg2: memref<480x1xf32, #tpu.memory_space<vmem>>, %arg3: memref<2048x512xbf16, #tpu.memory_space<vmem>>, %arg4: memref<2048x512xbf16, #tpu.memory_space<vmem>>, %arg5: memref<2048x512xbf16, #tpu.memory_space<vmem>>, %arg6: memref<1x2048xf32, #tpu.memory_space<vmem>>, %arg7: memref<1x1x480xi32, #tpu.memory_space<vmem>>, %arg8: memref<480x512xf32, #tpu.memory_space<vmem>>, %arg9: memref<480x512xf32, #tpu.memory_space<vmem>>, %arg10: memref<1x1xf32, #tpu.memory_space<vmem>>) attributes {dimension_semantics = [#tpu.dimension_semantics<arbitrary>], iteration_bounds = array<i64: 50>, scalar_prefetch = 0 : i64, scratch_operands = 0 : i64, tpu.core_type = #tpu.core_type<tc>, window_params = [{transform_indices = @transform_0, window_bounds = array<i64: 480, 512>}, {transform_indices = @transform_1, window_bounds = array<i64: 480, 1>}, {pipeline_mode = #tpu.pipeline_mode<synchronous>, transform_indices = @transform_2, window_bounds = array<i64: 2048, 512>}, {pipeline_mode = #tpu.pipeline_mode<synchronous>, transform_indices = @transform_3, window_bounds = array<i64: 2048, 512>}, {pipeline_mode = #tpu.pipeline_mode<synchronous>, transform_indices = @transform_4, window_bounds = array<i64: 2048, 512>}, {pipeline_mode = #tpu.pipeline_mode<synchronous>, transform_indices = @transform_5, window_bounds = array<i64: 1, 2048>}, {transform_indices = @transform_6, window_bounds = array<i64: 1, 1, 480>}, {transform_indices = @transform_7, window_bounds = array<i64: 480, 512>}, {transform_indices = @transform_8, window_bounds = array<i64: 480, 512>}, {pipeline_mode = #tpu.pipeline_mode<synchronous>, transform_indices = @transform_9, window_bounds = array<i64: 1, 1>}]} {
    %eq3A = arith.constant 0 : i32
    %eq3A_0 = arith.cmpi eq, %arg0, %eq3A : i32
    %convert_element_type3A = arith.extui %eq3A_0 : i1 to i32
    %cond3A = arith.constant 0 : i32
    %cond3A_1 = arith.cmpi ne, %convert_element_type3A, %cond3A : i32
    scf.if %cond3A_1 {
      %broadcast_in_dim3A_64 = arith.constant 0.000000e+00 : f32
      %broadcast_in_dim3A_65 = vector.broadcast %broadcast_in_dim3A_64 : f32 to vector<1x1xf32>
      %swap3A_66 = arith.constant 0 : index
      %swap3A_67 = arith.constant 0 : index
      %swap3A_68 = vector.load %arg10[%swap3A_66, %swap3A_67] : memref<1x1xf32, #tpu.memory_space<vmem>>, vector<1x1xf32>
      tpu.vector_store %arg10[%swap3A_66, %swap3A_67], %broadcast_in_dim3A_65 {strides = array<i32>} : memref<1x1xf32, #tpu.memory_space<vmem>>, vector<1x1xf32>,
    } else {
    }
    %get3A = arith.constant 0 : index
    %get3A_2 = arith.constant 0 : index
    %get3A_3 = vector.load %arg1[%get3A, %get3A_2] : memref<480x512xf32, #tpu.memory_space<vmem>>, vector<480x512xf32>
    %convert_element_type3A_4 = arith.truncf %get3A_3 : vector<480x512xf32> to vector<480x512xbf16>
    %get3A_5 = arith.constant 0 : index
    %get3A_6 = arith.constant 0 : index
    %get3A_7 = vector.load %arg3[%get3A_5, %get3A_6] : memref<2048x512xbf16, #tpu.memory_space<vmem>>, vector<2048x512xbf16>
    %dot_general3A = arith.constant dense<0.000000e+00> : vector<480x2048xf32>
    %dot_general3A_8 = tpu.matmul %convert_element_type3A_4, %get3A_7, %dot_general3A {dimension_numbers = #tpu.dot_dimension_numbers<[1], [1], [0], [0], [0, 0, 1, 0], [], []>, transpose_lhs_hint = false} : vector<480x512xbf16>, vector<2048x512xbf16>, vector<480x2048xf32> -> vector<480x2048xf32>
    %get3A_9 = arith.constant 0 : index
    %get3A_10 = arith.constant 0 : index
    %get3A_11 = vector.load %arg2[%get3A_9, %get3A_10] : memref<480x1xf32, #tpu.memory_space<vmem>>, vector<480x1xf32>
    %get3A_12 = arith.constant 0 : index
    %get3A_13 = arith.constant 0 : index
    %get3A_14 = vector.load %arg6[%get3A_12, %get3A_13] : memref<1x2048xf32, #tpu.memory_space<vmem>>, vector<1x2048xf32>
    %add3A = vector.broadcast %get3A_11 : vector<480x1xf32> to vector<480x2048xf32>
    %add3A_15 = vector.broadcast %get3A_14 : vector<1x2048xf32> to vector<480x2048xf32>
    %add3A_16 = arith.addf %add3A, %add3A_15 : vector<480x2048xf32>
    %mul3A = arith.constant 2.000000e+00 : f32
    %mul3A_17 = vector.broadcast %mul3A : f32 to vector<480x2048xf32>
    %mul3A_18 = arith.mulf %mul3A_17, %dot_general3A_8 : vector<480x2048xf32>
    %sub3A = arith.subf %add3A_16, %mul3A_18 : vector<480x2048xf32>
    %max3A = arith.constant 0.000000e+00 : f32
    %max3A_19 = vector.broadcast %max3A : f32 to vector<480x2048xf32>
    %max3A_20 = arith.maximumf %sub3A, %max3A_19 : vector<480x2048xf32>
    %sqrt3A = math.sqrt %max3A_20 : vector<480x2048xf32>
    %argmin3A = tpu.reduce_index %sqrt3A {axis = 1 : i32, kind = #tpu.reduction_kind<arg_min>} : vector<480x2048xf32> -> vector<480xi32>
    %swap3A = arith.constant 0 : index
    %swap3A_21 = arith.constant 0 : index
    %swap3A_22 = arith.constant 0 : index
    %swap3A_23 = vector.load %arg7[%swap3A, %swap3A_21, %swap3A_22] : memref<1x1x480xi32, #tpu.memory_space<vmem>>, vector<1x1x480xi32>
    %swap3A_24 = vector.shape_cast %swap3A_23 : vector<1x1x480xi32> to vector<480xi32>
    %swap3A_25 = vector.shape_cast %argmin3A : vector<480xi32> to vector<1x1x480xi32>
    tpu.vector_store %arg7[%swap3A, %swap3A_21, %swap3A_22], %swap3A_25 {strides = array<i32>} : memref<1x1x480xi32, #tpu.memory_space<vmem>>, vector<1x1x480xi32>,
    %iota3A = tpu.iota {dimensions = array<i32: 1>} : vector<480x2048xi32>
    %broadcast_in_dim3A = vector.shape_cast %argmin3A : vector<480xi32> to vector<480x1xi32>
    %eq3A_26 = vector.broadcast %broadcast_in_dim3A : vector<480x1xi32> to vector<480x2048xi32>
    %eq3A_27 = arith.cmpi eq, %iota3A, %eq3A_26 : vector<480x2048xi32>
    %convert_element_type3A_28 = arith.extui %eq3A_27 : vector<480x2048xi1> to vector<480x2048xi32>
    %convert_element_type3A_29 = arith.sitofp %convert_element_type3A_28 : vector<480x2048xi32> to vector<480x2048xf32>
    %convert_element_type3A_30 = arith.truncf %convert_element_type3A_29 : vector<480x2048xf32> to vector<480x2048xbf16>
    %dot_general3A_31 = arith.constant dense<0.000000e+00> : vector<480x512xf32>
    %dot_general3A_32 = tpu.matmul %convert_element_type3A_30, %get3A_7, %dot_general3A_31 {dimension_numbers = #tpu.dot_dimension_numbers<[1], [0], [0], [1], [0, 0, 1, 1], [], []>, transpose_lhs_hint = false} : vector<480x2048xbf16>, vector<2048x512xbf16>, vector<480x512xf32> -> vector<480x512xf32>
    %get3A_33 = arith.constant 0 : index
    %get3A_34 = arith.constant 0 : index
    %get3A_35 = vector.load %arg4[%get3A_33, %get3A_34] : memref<2048x512xbf16, #tpu.memory_space<vmem>>, vector<2048x512xbf16>
    %dot_general3A_36 = arith.constant dense<0.000000e+00> : vector<480x512xf32>
    %dot_general3A_37 = tpu.matmul %convert_element_type3A_30, %get3A_35, %dot_general3A_36 {dimension_numbers = #tpu.dot_dimension_numbers<[1], [0], [0], [1], [0, 0, 1, 1], [], []>, transpose_lhs_hint = false} : vector<480x2048xbf16>, vector<2048x512xbf16>, vector<480x512xf32> -> vector<480x512xf32>
    %add3A_38 = arith.addf %dot_general3A_32, %dot_general3A_37 : vector<480x512xf32>
    %get3A_39 = arith.constant 0 : index
    %get3A_40 = arith.constant 0 : index
    %get3A_41 = vector.load %arg5[%get3A_39, %get3A_40] : memref<2048x512xbf16, #tpu.memory_space<vmem>>, vector<2048x512xbf16>
    %dot_general3A_42 = arith.constant dense<0.000000e+00> : vector<480x512xf32>
    %dot_general3A_43 = tpu.matmul %convert_element_type3A_30, %get3A_41, %dot_general3A_42 {dimension_numbers = #tpu.dot_dimension_numbers<[1], [0], [0], [1], [0, 0, 1, 1], [], []>, transpose_lhs_hint = false} : vector<480x2048xbf16>, vector<2048x512xbf16>, vector<480x512xf32> -> vector<480x512xf32>
    %add3A_44 = arith.addf %add3A_38, %dot_general3A_43 : vector<480x512xf32>
    %swap3A_45 = arith.constant 0 : index
    %swap3A_46 = arith.constant 0 : index
    %swap3A_47 = vector.load %arg8[%swap3A_45, %swap3A_46] : memref<480x512xf32, #tpu.memory_space<vmem>>, vector<480x512xf32>
    tpu.vector_store %arg8[%swap3A_45, %swap3A_46], %add3A_44 {strides = array<i32>} : memref<480x512xf32, #tpu.memory_space<vmem>>, vector<480x512xf32>,
    %sub3A_48 = arith.subf %get3A_3, %add3A_44 : vector<480x512xf32>
    %swap3A_49 = arith.constant 0 : index
    %swap3A_50 = arith.constant 0 : index
    %swap3A_51 = vector.load %arg9[%swap3A_49, %swap3A_50] : memref<480x512xf32, #tpu.memory_space<vmem>>, vector<480x512xf32>
    tpu.vector_store %arg9[%swap3A_49, %swap3A_50], %sub3A_48 {strides = array<i32>} : memref<480x512xf32, #tpu.memory_space<vmem>>, vector<480x512xf32>,
    %get3A_52 = arith.constant 0 : index
    %get3A_53 = arith.constant 0 : index
    %get3A_54 = vector.load %arg10[%get3A_52, %get3A_53] : memref<1x1xf32, #tpu.memory_space<vmem>>, vector<1x1xf32>
    %mul3A_55 = arith.mulf %sub3A_48, %sub3A_48 : vector<480x512xf32>
    %reduce_sum3A = vector.shape_cast %mul3A_55 : vector<480x512xf32> to vector<1x480x512xf32>
    %reduce_sum3A_56 = arith.constant dense<0.000000e+00> : vector<1xf32>
    %reduce_sum3A_57 = vector.multi_reduction <add>, %reduce_sum3A, %reduce_sum3A_56 [1, 2] : vector<1x480x512xf32> to vector<1xf32>
    %reduce_sum3A_58 = vector.shape_cast %reduce_sum3A_57 : vector<1xf32> to vector<1x1x1xf32>
    %reduce_sum3A_59 = vector.extract %reduce_sum3A_58[0, 0, 0] : f32 from vector<1x1x1xf32>
    %reshape3A = vector.broadcast %reduce_sum3A_59 : f32 to vector<1x1xf32>
    %add3A_60 = arith.addf %get3A_54, %reshape3A : vector<1x1xf32>
    %swap3A_61 = arith.constant 0 : index
    %swap3A_62 = arith.constant 0 : index
    %swap3A_63 = vector.load %arg10[%swap3A_61, %swap3A_62] : memref<1x1xf32, #tpu.memory_space<vmem>>, vector<1x1xf32>
    tpu.vector_store %arg10[%swap3A_61, %swap3A_62], %add3A_60 {strides = array<i32>} : memref<1x1xf32, #tpu.memory_space<vmem>>, vector<1x1xf32>,
    return
  }
  func.func @transform_0(%arg0: i32) -> (i32, i32) {
    %c0_i32 = arith.constant 0 : i32
    %c0_i32_0 = arith.constant 0 : i32
    return %arg0, %c0_i32 : i32, i32
  }
  func.func @transform_1(%arg0: i32) -> (i32, i32) {
    %c0_i32 = arith.constant 0 : i32
    %c0_i32_0 = arith.constant 0 : i32
    return %arg0, %c0_i32 : i32, i32
  }
  func.func @transform_2(%arg0: i32) -> (i32, i32) {
    %c0_i32 = arith.constant 0 : i32
    %c0_i32_0 = arith.constant 0 : i32
    %c0_i32_1 = arith.constant 0 : i32
    return %c0_i32, %c0_i32_0 : i32, i32
  }
  func.func @transform_3(%arg0: i32) -> (i32, i32) {
    %c0_i32 = arith.constant 0 : i32
    %c0_i32_0 = arith.constant 0 : i32
    %c0_i32_1 = arith.constant 0 : i32
    return %c0_i32, %c0_i32_0 : i32, i32
  }
  func.func @transform_4(%arg0: i32) -> (i32, i32) {
    %c0_i32 = arith.constant 0 : i32
    %c0_i32_0 = arith.constant 0 : i32
    %c0_i32_1 = arith.constant 0 : i32
    return %c0_i32, %c0_i32_0 : i32, i32
  }
  func.func @transform_5(%arg0: i32) -> (i32, i32) {
    %c0_i32 = arith.constant 0 : i32
    %c0_i32_0 = arith.constant 0 : i32
    %c0_i32_1 = arith.constant 0 : i32
    return %c0_i32, %c0_i32_0 : i32, i32
  }
  func.func @transform_6(%arg0: i32) -> (i32, i32, i32) {
    %c0_i32 = arith.constant 0 : i32
    %c0_i32_0 = arith.constant 0 : i32
    %c0_i32_1 = arith.constant 0 : i32
    return %arg0, %c0_i32, %c0_i32_0 : i32, i32, i32
  }
  func.func @transform_7(%arg0: i32) -> (i32, i32) {
    %c0_i32 = arith.constant 0 : i32
    %c0_i32_0 = arith.constant 0 : i32
    return %arg0, %c0_i32 : i32, i32
  }
  func.func @transform_8(%arg0: i32) -> (i32, i32) {
    %c0_i32 = arith.constant 0 : i32
    %c0_i32_0 = arith.constant 0 : i32
    return %arg0, %c0_i32 : i32, i32
  }
  func.func @transform_9(%arg0: i32) -> (i32, i32) {
    %c0_i32 = arith.constant 0 : i32
    %c0_i32_0 = arith.constant 0 : i32
    %c0_i32_1 = arith.constant 0 : i32
    return %c0_i32, %c0_i32_0 : i32, i32
  }
}

</mosaic_0001>

<sc_bundles>
// kernel: sparse-core-data-format-call.cloned.1.call-start
scs
called_computation_lowered:
.L_overlay_start_0:
0x0: {  	s2 =	sld [smem:$0x3FD9]  }
0x1: {  	s3 =	sld [smem:$0x3FFE];
	_ =	sdelay $0x1  }
0x2: {  	s1 =	srdreg.scid  }
0x3: {  	s0 =	sand.u32 $0x1, s1  }
0x4: {  	s15 =	sshll.u32 s0, $0xA;
	s2 =	sadd.s32 s3, s2  }
0x5: {  	s2 =	sadd.s32 s2, s15  }
0x6: {  	[smem:$0x3FC6] =	sst s2  }
0x7: {  	_ = 	snop  }
0x8: {  	s2 =	sld [smem:$0x3FD0];
	_ =	sdelay $0x2  }
0x9: {  	s16 =	simm.s32 $0xA;
	s4 =	simm.s32 $0x10  }
0xa: {  	[smem:s4], [sflag:s16] =	dma.local [hbm:s2], $0x1  }
0xb: {  	_ =	swait.eq [sflag:s16], $0x1  }
0xc: {  	[sflag:s16] =	ssyncset.done $0x0  }
0xd: {  	[sflag:s16] =	ssyncadd.s32 $0xFFFFFFFF  }
0xe: {  	s17 =	sld [smem:$0x11];
	(tm) =	ssettm $0x1  }
0xf: {  	s18 =	sld [smem:$0x3FFB];
	_ =	sdelay $0x3  }
0x10: {  	_ =	strace s18  }
0x11: {  	s3 =	sld [smem:$0x3FFC];
	_ =	sdelay $0x3  }
0x12: {  	_ =	strace s3  }
0x13: {  	s3 =	sld [smem:$0x3FFD];
	_ =	sdelay $0x3  }
0x14: {  	_ =	strace s3  }
0x15: {  	_ =	strace $0x8FFFFFFF  }
0x16: {  	s19 =	sld [smem:$0x3FDB];
	_ =	sdelay $0x1  }
0x17: {  	s20 =	simm.s32 $_scs_section_size  }
0x18: {  	s5 =	simm.s32 $_size__tile_overlayer_lowered;
	s6 =	simm.s32 $_tile_overlayer_lowered  }
0x19: {  	s23 =	simm.s32 $0x1BFF;
	s22 =	sshll.u32 s6, $0x1;
	s3 =	sadd.s32 s20, s19  }
0x1a: {  	s7 =	simm.s32 $0x0;
	s21 =	sshll.u32 s5, $0x1;
	s5 =	sadd.s32 s22, s3  }
0x1b: {  	[timem:s7], [sflag:s23] =	dma.local [hbm:s5], s21  }
0x1c: {  	_ =	swait.ge [sflag:s23], s21  }
0x1d: {  	s4 =	ssub.s32 $0x0, s21;
	[sflag:s23] =	ssyncset.done $0x0  }
0x1e: {  	[sflag:s23] =	ssyncadd.s32 s4;
	_ =	sdelay $0x1  }
0x1f: {  	s24 =	simm.s32 $0x1B8B  }
0x20: {  	_ =	swait.ge [sflag:s24], $0x1  }
0x21: {  	[sflag:s24] =	ssyncset.done $0x0  }
0x22: {  	s26 =	simm.s32 $0x1B8E;
	s25 =	sld [smem:$0x3FFE];
	[sflag:s24] =	ssyncadd.s32 $0xFFFFFFFF  }
0x23: {  	s27 =	simm.s32 $execute0_lowered;
	[smem:$0x3FD2] =	sst s26  }
0x24: {  	s5 =	sshll.u32 s27, $0x1;
	_ =	strace $0x80000046;
	[dreg:$0x1] =	wrdreg $0xFFFFFFFF  }
0x25: {  	s28 =	simm.s32 $_size_execute0_lowered;
	s3 =	sadd.s32 s3, s5;
	[dreg:$0x0] =	wrdreg $0x0  }
0x26: {  	s5 =	sshll.u32 s28, $0x1;
	[dreg:$0x2] =	wrdreg s3  }
0x27: {  	[dreg:$0x3] =	wrdreg s5  }
0x28: {  	[dreg:$0x4] =	wrdreg $0xC0  }
0x29: {  	_ =	task [dreg:s7], $0x5FFFF  }
0x2a: {  	[dreg:$0x1] =	wrdreg $0xFFFFFFFF  }
0x2b: {  	[dreg:$0x0] =	wrdreg $0x60  }
0x2c: {  	[dreg:$0x2] =	wrdreg s25  }
0x2d: {  	[dreg:$0x3] =	wrdreg s17  }
0x2e: {  	[dreg:$0x4] =	wrdreg $0x9  }
0x2f: {  	_ =	task.clear_ibuf [dreg:s7], $0x5FFFF;
	_ =	strace $0x90000046  }
0x30: {  	s29 =	simm.s32 $0x9;
	_ =	strace $0x80000048  }
0x31: {  	_ =	swait.ge [sflag:s29], $0x1  }
0x32: {  	[sflag:s29] =	ssyncadd.s32 $0xFFFFFFFF  }
0x33: {  	_ =	strace $0x90000048  }
0x34: {  	_ =	sfence  }
0x35: {  	s30 =	sld [smem:$0x0];
	_ =	sdelay $0x2  }
0x36: {  	s31 =	sshll.u32 s1, $0xD;
	s1 =	sshrl.u32 s1, $0x2  }
0x37: {  	s3 =	sand.u32 $0x4000, s31;
	s1 =	sadd.s32 s1, s30  }
0x38: {  	s0 =	sor.u32 s3, s0;
	s1 =	sshll.u32 s1, $0x11  }
0x39: {  	s0 =	sor.u32 s1, s0  }
0x3a: {  	s0 =	sadd.s32 $0x8F2B, s0  }
0x3b: {  	[sflag:s0] =	ssyncadd.remote.s32 $0x1  }
0x3c: {  	_ =	sfence.sel $0xFFFF  }
0x3d: {  	[dreg:$0x0] =	wrdreg $0xFFFFFFFF;
	(pc) =	sbr.abs _section_cstart, $3  }
0x3e: {  	[dreg:$0x1] =	wrdreg $0xFFFFFFFF  }
0x3f: {  	_ =	task.clear_ibuf [dreg:s7], $0x2FFFF;
	_ =	strace $0x9FFFFFFF  }
0x40: {  	(tm) =	ssettm $0x7FFFFFFF  }
0x41: {  	_ =	shalt  }
tec
execute0_lowered:
.L_overlay_start_1:
0x0: {  	(tag) =	ssettag $0x1  }
0x1: {  	s0 =	rddreg [dreg:$0x0]  }
0x2: {  	s3 =	stileid.u32;
	s4 =	srdreg.scid;
	_ =	strace $0x80000047  }
0x3: {  	s31 =	simm.s32 $0x2;
	s20 =	simm.s32 $0x0;
	s12 =	simm.s32 $0x4000  }
0x4: {  	s13 =	simm.s32 $0x0;
	s19 =	simm.s32 $0x0;
	s1 =	sshll.u32 s3, $0x3  }
0x5: {  	s21 =	simm.s32 $0x0;
	s14 =	simm.s32 $0x0;
	s2 =	sand.u32 $0x18, s1  }
0x6: {  	s24 =	sshll.u32 s3, $0x1;
	s25 =	sshll.u32 s4, $0x8;
	s5 =	ssub.s32 $0x20, s2  }
0x7: {  	s3 =	sand.u32 $0x18, s24;
	s26 =	sshrl.u32 s5, $0x5;
	s5 =	sand.u32 $0x18, s5  }
0x8: {  	s6 =	ssub.s32 $0x2E8, s3;
	p0 =	sne.s32 s5, $0x0;
	s5 =	simm.s32 $0x1  }
0x9: {  	s4 =	sand.u32 $0x100, s25;
	s6 =	sshrl.u32 s6, $0x5;
	s5 =	simm.s32 @!p0 $0x0  }
0xa: {  	s7 =	ssub.s32 $0x200, s4;
	s28 =	sadd.s32 $0x1, s6;
	s1 =	sadd.s32 s5, s26  }
0xb: {  	s15 =	simm.s32 $0x0;
	s29 =	sshrl.u32 s7, $0x8;
	s1 =	smul.u32 s28, s1  }
.Ltmp0:
0xc: {  	s7 =	sshrl.u32 s7, $0x9;
	s6 =	sand.u32 $0x1, s29;
	(pc) =	sbr.rel .LBB1_1-.Ltmp0, $4  }
0xd: {  	s18 =	simm.s32 $0x0;
	s27 =	simm.s32 $0x0;
	s30 =	sadd.s32 s7, s6  }
0xe: {  	s8 =	sadd.s32 $0x6200, s0;
	s6 =	simm.s32 $0x1;
	s7 =	smul.u32 s30, s1  }
0xf: {  	s9 =	sshll.u32 s4, $0x3;
	s16 =	smov.u32 s3;
	[sflag:s6] =	ssyncpa.u1 $0x0  }
0x10: {  	s17 =	smov.u32 s2;
	[sflag:s31] =	ssyncpa.u1 $0x0;
	s10 =	sadd.s32 $0x1, s7  }
.LBB1_7:
0x11: {  	p0 =	slt.u32 s18, $0x2  }
0x12: {  	p1 =	sgt.s32 @!p0 s20, $0x2E6  }
0x13: {  	s0 =	smov.u32 s20;
	s5 =	smov.u32 s19;
	p1 =	por !p1, p0  }
0x14: {  	s1 =	sshra.s32 @!p0 s20, $0x1F;
	s0 =	simm.s32 @p1 $0x2E6;
	p1 =	sgt.s32 @!p0 s19, $0x18  }
0x15: {  	s11 =	sshra.s32 @!p0 s19, $0x1F;
	s1 =	sand.u32 @!p0 s1, s20;
	p1 =	por !p1, p0  }
0x16: {  	s0 =	ssub.s32 @!p0 s0, s1;
	s1 =	sand.u32 @!p0 s11, s19;
	s5 =	simm.s32 @p1 $0x18  }
0x17: {  	s1 =	ssub.s32 @!p0 s5, s1  }
0x18: {  	s11 =	sadd.s32 @!p0 $0xFFFFFD1A, s0;
	s0 =	ssub.s32 @!p0 $0x2EE, s0;
	s1 =	sadd.s32 @!p0 $0xFFFFFFE8, s1  }
0x19: {  	p1 =	sgt.s32 @!p0 s11, $0x7;
	p2 =	sgt.s32 @!p0 s1, $0x7;
	s1 =	sshll.u32 @!p0 s1, $0x8  }
0x1a: {  	p1 =	por !p1, p0;
	s1 =	ssub.s32 @!p0 $0x800, s1;
	p2 =	por !p2, p0  }
0x1b: {  	s0 =	simm.s32 @!p1 $0x0;
	s1 =	simm.s32 @!p2 $0x0  }
0x1c: {  	s0 =	smul.u32 @!p0 s0, s1;
	s1 =	sadd.s32 $0x20, s16  }
0x1d: {  	s22 =	smov.u32 s17;
	s11 =	sadd.s32 $0x20, s17;
	p1 =	sgt.s32 s1, $0x2ED  }
0x1e: {  	s22 =	smov.u32 @p1 s11  }
0x1f: {  	s1 =	smov.u32 @p1 s3;
	p1 =	sgt.s32 s22, $0x1F  }
0x20: {  	s13 =	sadd.s32 $0x4000, s13;
	s22 =	smov.u32 @p1 s2;
	p1 =	sne.s32 s18, s10  }
.Ltmp1:
0x21: {  	s21 =	smov.u32 s4;
	s20 =	smov.u32 s14;
	(pc) =	sbr.rel @!p1 .LBB1_8-.Ltmp1, $4  }
0x22: {  	s14 =	smov.u32 s16;
	s5 =	simm.s32 @!p0 $0x2;
	s0 =	sand.u32 @!p0 $0x3FFFFF00, s0  }
0x23: {  	s19 =	smov.u32 s15;
	s15 =	smov.u32 s17;
	_ =	swait.ge @!p0 [sflag:s5], s0  }
0x24: {  	s0 =	ssub.s32 @!p0 $0x0, s0;
	s16 =	smov.u32 s1;
	[sflag:s5] =	ssyncset.done @!p0 $0x0  }
0x25: {  	s18 =	sadd.s32 $0x1, s18;
	[sflag:s5] =	ssyncadd.s32 @!p0 s0;
	s17 =	smov.u32 s22  }
.LBB1_1:
0x26: {  	p0 =	sge.u32 s18, s7  }
0x27: {  	s0 =	sshll.u32 @!p0 s16, $0x9  }
0x28: {  	s1 =	sshll.u32 @!p0 s16, $0x7;
	s0 =	sand.u32 @!p0 $0xFFFFF000, s0  }
0x29: {  	s1 =	sand.u32 @!p0 $0x200, s1;
	s0 =	sor.u32 @!p0 s9, s0  }
0x2a: {  	s0 =	sor.u32 @!p0 s1, s0  }
0x2b: {  	s0 =	sshrl.u32 @!p0 s0, $0x9  }
0x2c: {  	s1 =	smulhi.u32 @!p0 $0x572621, s0;
	_ =	sdelay $0x1  }
0x2d: {  	s1 =	smul.u32 @!p0 $0x2F0, s1  }
0x2e: {  	s31 =	sadd.s32 $0xFFFFFFFF, s18;
	s5 =	smul.u32 @!p0 $0xBC00, s17  }
0x2f: {  	s11 =	sxor.u32 @!p0 $0xFFFFFFFF, s18;
	s0 =	ssub.s32 @!p0 s0, s1;
	s1 =	sshll.u32 @!p0 s16, $0x4  }
0x30: {  	s11 =	sshll.u32 @!p0 s11, $0xE;
	s5 =	sadd.s32 @!p0 s8, s5;
	s1 =	sand.u32 @!p0 $0x30, s1  }
0x31: {  	s11 =	sand.u32 @!p0 $0x4000, s11;
	s0 =	sshll.u32 @!p0 s0, $0x6;
	s1 =	sadd.s32 @!p0 s1, s5  }
0x32: {  	s5 =	simm.s32 @!p0 $0x5E000;
	s0 =	sadd.s32 @!p0 s0, s1;
	s1 =	simm.s32 @!p0 $0x800  }
0x33: {  	[tilespmem:s11], [sflag:$0x1] =	stream.strided.gather @!p0 [hbm4b:s0+s1], $0x4000, s5, s1, $0x38;
	[tilespmem:$0x10000] =	vst v63  }
0x34: {  	p0 =	sge.u32 s31, s7  }
.Ltmp2:
0x35: {  	_ = 	snop;
	(pc) =	sbr.rel @p0 .LBB1_7-.Ltmp2, $1  }
0x36: {  	_ =	sdelay $0x3  }
0x37: {  	s0 =	sshll.u32 s13, $0x2;
	_ =	swait.ge [sflag:s6], $0x4000;
	s1 =	sshll.u32 s18, $0xE  }
0x38: {  	p0 =	por $0x0, $0x0;
	s28 =	simm.s32 $0x0;
	s29 =	simm.s32 $0x0  }
0x39: {  	s0 =	sand.u32 $0x10000, s0;
	[sflag:s6] =	ssyncset.done $0x0;
	s25 =	sand.u32 $0x4000, s1  }
0x3a: {  	s0 =	sshrl.u32 s0, $0x2;
	[sflag:s6] =	ssyncadd.s32 $0xFFFFC000;
	s22 =	sor.u32 $0x8000, s25  }
0x3b: {  	s23 =	sor.u32 $0x40, s0;
	s5 =	sor.u32 $0x8410, s0;
	s26 =	sadd.s32 $0x8400, s0  }
.LBB1_3:
0x3c: {  	v1 =	vld [tilespmem:s23+$0xFFFFFFD0]  }
0x3d: {  	v2 =	vld [tilespmem:s23+$0x430]  }
0x3e: {  	s0 =	sshll.u32 s29, $0xB;
	v4 =	vld [tilespmem:s23+$0xFFFFFFE0]  }
0x3f: {  	v7 =	vld [tilespmem:s23+$0xFFFFFFF0];
	v0 =	vmov s0  }
0x40: {  	v8 =	vld [tilespmem:s23+$0x0]  }
0x41: {  	s11 =	sand.u32 $0x300, s27;
	v9 =	vld [tilespmem:s23+$0x10]  }
0x42: {  	s1 =	sand.u32 $0x80, s27;
	v10 =	vld [tilespmem:s23+$0x20];
	s0 =	sadd.s32 s11, s25  }
0x43: {  	v11 =	vld [tilespmem:s23+$0x30];
	s0 =	sadd.s32 s1, s0;
	s1 =	simm.s32 $0x1;
	[tilespmem:s5+$0x60] =	vst v2  }
0x44: {  	s24 =	sshll.u32 s28, $0x2;
	s1 =	simm.s32 @!p0 $0x0;
	[tilespmem:s5+$0xFFFFFC00] =	vst v1;
	v3 =	vld.idx.msk [tilespmem:v0+s0+$0x400 ss:$0x1], $0xffff  }
0x45: {  	v6 =	vld [tilespmem:s23+$0x3D0];
	s1 =	sshll.u32 s1, $0x9;
	[tilespmem:s5+$0xFFFFFC10] =	vst v4;
	s0 =	sand.u32 $0xFFFFFC00, s24  }
0x46: {  	v5 =	vld [tilespmem:s23+$0x3E0];
	[tilespmem:s5+$0xFFFFFC20] =	vst v7;
	s0 =	sor.u32 s1, s0  }
0x47: {  	[tilespmem:s5+$0xFFFFFC30] =	vst v8;
	v4 =	vld [tilespmem:s23+$0x400];
	s0 =	sshrl.u32 s0, $0x2  }
0x48: {  	[tilespmem:s5+$0xFFFFFC40] =	vst v9;
	v1 =	vld [tilespmem:s23+$0x410];
	s30 =	sadd.s32 s0, s26  }
0x49: {  	[tilespmem:s30+$0x0] =	vst v3;
	v3 =	vld [tilespmem:s23+$0x3F0]  }
0x4a: {  	s31 =	sadd.s32 $0x80, s23;
	[tilespmem:s5+$0xFFFFFC50] =	vst v10;
	v2 =	vld [tilespmem:s23+$0x420];
	s1 =	simm.s32 $0x80  }
0x4b: {  	v7 =	vld [tilespmem:s23+$0xFFFFFFC0];
	[tilespmem:s5+$0xFFFFFC60] =	vst v11;
	s24 =	smov.u32 s5;
	s11 =	sand.u32 $0x300, s1;
	s0 =	simm.s32 $0x100  }
.LBB1_4:
0x4c: {  	p1 =	sne.s32 s0, $0x380;
	v8 =	vld [tilespmem:s31+$0xFFFFFFD0];
	s1 =	sand.u32 $0x80, s1;
	s11 =	sadd.s32 s11, s25;
	[tilespmem:s24+$0x0] =	vst v6  }
0x4d: {  	s11 =	sadd.s32 s1, s11;
	v6 =	vld [tilespmem:s31+$0x430];
	[tilespmem:s24+$0x10] =	vst v5;
	s1 =	smov.u32 s0  }
0x4e: {  	v5 =	vld.idx.msk [tilespmem:v0+s11+$0x400 ss:$0x1], $0xffff;
	[tilespmem:s24+$0x20] =	vst v3  }
0x4f: {  	v3 =	vld [tilespmem:s31+$0xFFFFFFE0];
	[tilespmem:s24+$0x30] =	vst v4  }
0x50: {  	v4 =	vld [tilespmem:s31+$0xFFFFFFF0];
	[tilespmem:s24+$0xFFFFFBF0] =	vst v7  }
0x51: {  	v7 =	vld [tilespmem:s31+$0x0];
	[tilespmem:s24+$0x40] =	vst v1  }
0x52: {  	v1 =	vld [tilespmem:s31+$0x10];
	[tilespmem:s24+$0x50] =	vst v2;
	s24 =	sadd.s32 $0x800, s24  }
0x53: {  	s30 =	sadd.s32 $0x800, s30;
	v2 =	vld [tilespmem:s31+$0x20];
	[tilespmem:s24+$0x60] =	vst v6  }
0x54: {  	v9 =	vld [tilespmem:s31+$0x30];
	[tilespmem:s30+$0x0] =	vst v5  }
0x55: {  	[tilespmem:s24+$0xFFFFFC00] =	vst v8;
	v6 =	vld [tilespmem:s31+$0x3D0]  }
0x56: {  	[tilespmem:s24+$0xFFFFFC10] =	vst v3;
	v5 =	vld [tilespmem:s31+$0x3E0]  }
.Ltmp3:
0x57: {  	[tilespmem:s24+$0xFFFFFC20] =	vst v4;
	v3 =	vld [tilespmem:s31+$0x3F0];
	(pc) =	sbr.rel @p1 .LBB1_4-.Ltmp3, $4  }
0x58: {  	[tilespmem:s24+$0xFFFFFC30] =	vst v7;
	v4 =	vld [tilespmem:s31+$0x400]  }
0x59: {  	[tilespmem:s24+$0xFFFFFC40] =	vst v1;
	v1 =	vld [tilespmem:s31+$0x410]  }
0x5a: {  	[tilespmem:s24+$0xFFFFFC50] =	vst v2;
	v2 =	vld [tilespmem:s31+$0x420]  }
0x5b: {  	s0 =	sadd.s32 $0x80, s0;
	s11 =	sand.u32 $0x300, s1;
	v7 =	vld [tilespmem:s31+$0xFFFFFFC0];
	[tilespmem:s24+$0xFFFFFC60] =	vst v9;
	s31 =	sadd.s32 $0x80, s31  }
0x5c: {  	[tilespmem:s24+$0x0] =	vst v6  }
0x5d: {  	[tilespmem:s24+$0x10] =	vst v5  }
0x5e: {  	v49 =	vld [tilespmem:s31+$0x430];
	[tilespmem:s24+$0x20] =	vst v3  }
0x5f: {  	v50 =	vld [tilespmem:s31+$0xFFFFFFD0];
	[tilespmem:s24+$0x30] =	vst v4  }
0x60: {  	v51 =	vld [tilespmem:s31+$0xFFFFFFE0];
	[tilespmem:s24+$0x40] =	vst v1  }
0x61: {  	v52 =	vld [tilespmem:s31+$0xFFFFFFF0];
	[tilespmem:s24+$0x50] =	vst v2  }
0x62: {  	v53 =	vld [tilespmem:s31+$0x0];
	[tilespmem:s24+$0xFFFFFBF0] =	vst v7;
	s24 =	sadd.s32 $0x800, s24  }
0x63: {  	v54 =	vld [tilespmem:s31+$0x10];
	[tilespmem:s24+$0x60] =	vst v49  }
0x64: {  	v55 =	vld [tilespmem:s31+$0x20];
	[tilespmem:s24+$0xFFFFFC00] =	vst v50  }
0x65: {  	v56 =	vld [tilespmem:s31+$0x30];
	[tilespmem:s24+$0xFFFFFC10] =	vst v51  }
0x66: {  	v57 =	vld [tilespmem:s31+$0x3D0];
	[tilespmem:s24+$0xFFFFFC20] =	vst v52  }
0x67: {  	v58 =	vld [tilespmem:s31+$0x3E0];
	[tilespmem:s24+$0xFFFFFC30] =	vst v53  }
0x68: {  	v59 =	vld [tilespmem:s31+$0x3F0];
	[tilespmem:s24+$0xFFFFFC40] =	vst v54  }
0x69: {  	v60 =	vld [tilespmem:s31+$0x400];
	[tilespmem:s24+$0xFFFFFC50] =	vst v55  }
0x6a: {  	v61 =	vld [tilespmem:s31+$0xFFFFFFC0];
	[tilespmem:s24+$0xFFFFFC60] =	vst v56  }
0x6b: {  	s0 =	sand.u32 $0x80, s1;
	s11 =	sadd.s32 s11, s25;
	v62 =	vld [tilespmem:s31+$0x410];
	[tilespmem:s24+$0x0] =	vst v57  }
0x6c: {  	v63 =	vld [tilespmem:s31+$0x420];
	s29 =	sadd.s32 $0x1, s29;
	s0 =	sadd.s32 s0, s11;
	[tilespmem:s24+$0x10] =	vst v58  }
0x6d: {  	p1 =	sne.s32 s29, $0x8;
	v0 =	vld.idx.msk [tilespmem:v0+s0+$0x400 ss:$0x1], $0xffff;
	[tilespmem:s24+$0x20] =	vst v59  }
.Ltmp4:
0x6e: {  	[tilespmem:s24+$0x30] =	vst v60;
	(pc) =	sbr.rel @p1 .LBB1_3-.Ltmp4, $4  }
0x6f: {  	[tilespmem:s24+$0xFFFFFBF0] =	vst v61  }
0x70: {  	[tilespmem:s24+$0x40] =	vst v62  }
0x71: {  	s30 =	sadd.s32 $0x800, s30;
	s23 =	sadd.s32 $0x800, s23;
	[tilespmem:s24+$0x50] =	vst v63  }
0x72: {  	s28 =	sadd.s32 $0x80, s28;
	p0 =	por !p0, !p0;
	s5 =	sadd.s32 $0x80, s5;
	[tilespmem:s30+$0x0] =	vst v0  }
0x73: {  	p0 =	sgt.s32 s14, $0x2E6;
	s0 =	smov.u32 s14;
	s1 =	sshra.s32 s14, $0x1F  }
0x74: {  	s5 =	sshll.u32 s15, $0x9;
	s11 =	sshra.s32 s15, $0x1F;
	s21 =	sshll.u32 s21, $0x3  }
0x75: {  	s26 =	sshll.u32 s15, $0x7;
	s28 =	sshll.u32 s14, $0xB;
	s29 =	sshll.u32 s15, $0x4  }
0x76: {  	s30 =	rddreg [dreg:$0x1];
	s0 =	simm.s32 @!p0 $0x2E6;
	s1 =	sand.u32 s1, s14  }
0x77: {  	p0 =	sgt.s32 s15, $0x18;
	s0 =	ssub.s32 s0, s1;
	s1 =	smov.u32 s15  }
0x78: {  	s5 =	sand.u32 $0x3000, s5;
	s11 =	sand.u32 s11, s15;
	s1 =	simm.s32 @!p0 $0x18  }
0x79: {  	s5 =	sor.u32 s5, s21;
	s25 =	sadd.s32 $0xFFFFFD1A, s0;
	s1 =	ssub.s32 s1, s11  }
0x7a: {  	s0 =	ssub.s32 $0x2EE, s0;
	p0 =	sgt.s32 s25, $0x7;
	s1 =	sadd.s32 $0xFFFFFFE8, s1  }
0x7b: {  	s11 =	sand.u32 $0x200, s26;
	p1 =	sgt.s32 s1, $0x7;
	s1 =	sshll.u32 s1, $0x8  }
0x7c: {  	s0 =	simm.s32 @p0 $0x0;
	s5 =	sor.u32 s11, s5;
	s1 =	ssub.s32 $0x800, s1  }
.Ltmp5:
0x7d: {  	s11 =	sand.u32 $0x30, s29;
	s1 =	simm.s32 @p1 $0x0;
	(pc) =	sbr.rel .LBB1_7-.Ltmp5, $4  }
0x7e: {  	s5 =	sshrl.u32 s5, $0x3;
	s0 =	smul.u32 s0, s1;
	s1 =	sadd.s32 s30, s28  }
0x7f: {  	s5 =	sand.u32 $0x7C0, s5;
	s1 =	sadd.s32 s11, s1  }
0x80: {  	s31 =	simm.s32 $0x800;
	s0 =	sand.u32 $0x3FFFFF00, s0;
	s1 =	sadd.s32 s5, s1  }
0x81: {  	[hbm4b:s1+s31] =	stream.strided.scatter [tilespmem:s22], [sflag:$0x2], s0, s12, s31, $0x38;
	[tilespmem:$0x10000] =	vst v63  }
.LBB1_8:
0x82: {  	_ =	sfence.sel $0x180000  }
0x83: {  	s0 =	simm.s32 $0x1;
	[bflag:$0x0] =	sbarrier.arrive $0xFFFF  }
0x84: {  	s30 =	simm.s32 $0x2;
	[sflag:s0] =	ssyncpa.u1 $0x1  }
0x85: {  	[sflag:s30] =	ssyncpa.u1 $0x1  }
0x86: {  	_ =	strace $0x90000047  }
0x87: {  	s31 =	stileid.u32;
	[bflag:$0x2] =	sbarrier.arrive $0xFFFF  }
0x88: {  	p0 =	sne.s32 s31, $0x0;
	s0 =	rddreg [dreg:$0x2]  }
0x89: {  	s0 =	sadd.s32 @!p0 $0x100000, s0  }
0x8a: {  	[sflag:s0] =	ssyncadd.tile.s32 @!p0 $0x1;
	_ =	shalt  }
.Lfunc_end1:
_tile_overlayer_lowered:
.L_overlay_start_2:
0x8b: {  	(tag) =	ssettag $0x2  }
0x8c: {  	s0 =	rddreg [dreg:$0x0];
	s2 =	stileid.u32  }
0x8d: {  	s1 =	rddreg [dreg:$0x1];
	p0 =	sne.s32 s2, $0x0  }
0x8e: {  	s3 =	rddreg [dreg:$0x2];
	[bflag:$0x3] =	sbarrier.arrive $0xFFFF;
	s2 =	simm.s32 @!p0 $0x1C01  }
0x8f: {  	[timem:s3], [sflag:s2] =	dma.local @!p0 [hbm:s0], s1  }
0x90: {  	s0 =	simm.s32 @!p0 $0x1  }
0x91: {  	_ =	swait.ge @!p0 [sflag:s0], s1  }
0x92: {  	s1 =	ssub.s32 @!p0 $0x0, s1;
	[sflag:s0] =	ssyncset.done @!p0 $0x0  }
0x93: {  	[sflag:s0] =	ssyncadd.s32 @!p0 s1  }
0x94: {  	[bflag:$0x3] =	sbarrier.arrive $0xFFFF  }
0x95: {  	_ =	shalt  }

</sc_bundles>
